<compile_context>
chip_gen: v7x
topology: tpu7x:2x2x1
jax: 0.10.2.dev20260603
libtpu: 0.0.44.dev20260713+nightly
codegen_flags: <defaults>
</compile_context>

<pallas_src>
import functools

import jax
import jax.numpy as jnp
from jax import lax
from jax.experimental import pallas as pl
from jax.experimental.pallas import tpu as pltpu
from jax.experimental.pallas import tpu_sc as plsc

VOCAB = 100000
EMBED = 128
SEQ_LEN = 2048
BATCH = 4

B = BATCH * SEQ_LEN
NC = 2
NS = 16
NW = NC * NS
BPW = B // NW
SROWS = SEQ_LEN // NS


def _emb_body(tok_hbm, pos_hbm, ttab_hbm, ptab_hbm, out_hbm,
              tok_v, pos_v, trows, ptab_sh, sem_t, sem_p):
    sid = lax.axis_index("s")
    wid = sid * NC + lax.axis_index("c")
    base = wid * BPW
    row = base // SEQ_LEN
    col = base % SEQ_LEN

    pltpu.sync_copy(tok_hbm.at[row, pl.ds(col, BPW)], tok_v)
    pltpu.async_copy(ttab_hbm.at[tok_v], trows, sem_t)

    pltpu.sync_copy(pos_hbm.at[row, pl.ds(col, BPW)], pos_v)
    srs = pl.ds(sid * SROWS, SROWS)
    pltpu.sync_copy(ptab_hbm.at[srs], ptab_sh.at[srs])
    plsc.subcore_barrier()

    pltpu.make_async_copy(ttab_hbm.at[tok_v], trows, sem_t).wait()

    pltpu.async_copy(ptab_sh.at[pos_v], trows, sem_p, add=True)
    pltpu.make_async_copy(ptab_sh.at[pos_v], trows, sem_p).wait()

    pltpu.sync_copy(trows, out_hbm.at[pl.ds(base, BPW)])


@jax.jit
def _emb_call(tokens, positions, token_table, position_table):
    mesh = plsc.VectorSubcoreMesh(core_axis_name="c", subcore_axis_name="s")
    kfn = functools.partial(
        pl.kernel,
        mesh=mesh,
        out_type=jax.ShapeDtypeStruct((B, EMBED), jnp.float32),
        scratch_types=[
            pltpu.VMEM((BPW,), jnp.int32),
            pltpu.VMEM((BPW,), jnp.int32),
            pltpu.VMEM((BPW, EMBED), jnp.float32),
            pltpu.VMEM_SHARED((SEQ_LEN, EMBED), jnp.float32),
            pltpu.SemaphoreType.DMA,
            pltpu.SemaphoreType.DMA,
        ],
    )(_emb_body)
    return kfn(tokens, positions, token_table, position_table)


def kernel(tokens, positions, token_table, position_table):
    out = _emb_call(tokens.astype(jnp.int32), positions.astype(jnp.int32),
                    token_table, position_table)
    return jnp.reshape(out, (BATCH, SEQ_LEN, EMBED))

# --- scband reference (transcript-rebuilt; emitter-appended) ---
"""Pipeline reference for scband-gptembedding-85272280695593 (READ-ONLY COPY).

The authoritative reference and input builder live on the scoring server;
editing this copy changes nothing except your own understanding.
"""

import jax, jax.numpy as jnp
import numpy as np

VOCAB = 100000
EMBED = 128
SEQ_LEN = 2048
BATCH = 4

def setup_inputs(seed: int = 0) -> dict:
    key = jax.random.key(seed)
    k1, k2, k3, k4 = jax.random.split(key, 4)
    tokens = jax.random.randint(k1, (BATCH, SEQ_LEN), 0, VOCAB, dtype=jnp.int64 if jax.config.jax_enable_x64 else jnp.int32)
    positions = jax.random.randint(k2, (BATCH, SEQ_LEN), 0, SEQ_LEN, dtype=jnp.int64 if jax.config.jax_enable_x64 else jnp.int32)
    # learned parameters: token and position embedding tables (both vocab-sized, per original module)
    token_table = jax.random.normal(k3, (VOCAB, EMBED), dtype=jnp.float32)
    position_table = jax.random.normal(k4, (VOCAB, EMBED), dtype=jnp.float32)
    return {"tokens": tokens, "positions": positions, "token_table": token_table, "position_table": position_table}

def reference(tokens, positions, token_table, position_table):
    # Faithful translation of GPTEmbedding.forward (range checks are data validation, not math):
    # token_embedding(tokens) + position_embedding(positions)
    token_embedding = jnp.take(token_table, tokens, axis=0)
    position_embedding = jnp.take(position_table, positions, axis=0)
    return token_embedding + position_embedding

if __name__ == "__main__":
    import jax
    _d = setup_inputs()
    print(jax.jit(kernel)(*tuple(_d.values())))

</pallas_src>

<mosaic_0001>
#map = affine_map<(d0, d1) -> (0, 0)>
module attributes {stable_mosaic.version = 14 : i64} {
  func.func @_emb_body(%arg0: i32, %arg1: i32, %arg2: memref<4x2048xi32, #tpu.memory_space<hbm>>, %arg3: memref<4x2048xi32, #tpu.memory_space<hbm>>, %arg4: memref<100000x128xf32, #tpu.memory_space<hbm>>, %arg5: memref<100000x128xf32, #tpu.memory_space<hbm>>, %arg6: memref<8192x128xf32, #tpu.memory_space<hbm>>, %arg7: memref<256xi32, #tpu.memory_space<vmem>>, %arg8: memref<256xi32, #tpu.memory_space<vmem>>, %arg9: memref<256x128xf32, #tpu.memory_space<vmem>>, %arg10: memref<2048x128xf32, #tpu.memory_space<vmem_shared>>, %arg11: memref<!tpu.dma_semaphore, #tpu.memory_space<semaphore_mem>>, %arg12: memref<!tpu.dma_semaphore, #tpu.memory_space<semaphore_mem>>) attributes {dimension_semantics = [#tpu.dimension_semantics<core_parallel>, #tpu.dimension_semantics<subcore_parallel>], iteration_bounds = array<i64: 2, 16>, scalar_prefetch = 0 : i64, scratch_operands = 6 : i64, tpu.core_type = #tpu.core_type<sc_vector_subcore>, window_params = [{transform_indices = #map}, {transform_indices = #map}, {transform_indices = #map}, {transform_indices = #map}, {transform_indices = #map}]} {
    %mul3A = arith.constant 2 : i32
    %mul3A_0 = arith.muli %arg1, %mul3A : i32
    %add3A = arith.addi %mul3A_0, %arg0 : i32
    %mul3A_1 = arith.constant 256 : i32
    %mul3A_2 = arith.muli %add3A, %mul3A_1 : i32
    %jit3A = arith.constant 2048 : i32
    %div3A = arith.divsi %mul3A_2, %jit3A : i32
    %sign3A = arith.constant 0 : i32
    %sign3A_3 = arith.cmpi sgt, %mul3A_2, %sign3A : i32
    %sign3A_4 = arith.extui %sign3A_3 : i1 to i32
    %sign3A_5 = arith.constant 0 : i32
    %sign3A_6 = arith.cmpi slt, %mul3A_2, %sign3A_5 : i32
    %sign3A_7 = arith.extui %sign3A_6 : i1 to i32
    %sign3A_8 = arith.subi %sign3A_4, %sign3A_7 : i32
    %sign3A_9 = arith.constant 0 : i32
    %sign3A_10 = arith.cmpi sgt, %jit3A, %sign3A_9 : i32
    %sign3A_11 = arith.extui %sign3A_10 : i1 to i32
    %sign3A_12 = arith.constant 0 : i32
    %sign3A_13 = arith.cmpi slt, %jit3A, %sign3A_12 : i32
    %sign3A_14 = arith.extui %sign3A_13 : i1 to i32
    %sign3A_15 = arith.subi %sign3A_11, %sign3A_14 : i32
    %ne3A = arith.cmpi ne, %sign3A_8, %sign3A_15 : i32
    %rem3A = arith.remsi %mul3A_2, %jit3A : i32
    %ne3A_16 = arith.constant 0 : i32
    %ne3A_17 = arith.cmpi ne, %rem3A, %ne3A_16 : i32
    %and3A = arith.andi %ne3A, %ne3A_17 : i1
    %sub3A = arith.constant 1 : i32
    %sub3A_18 = arith.subi %div3A, %sub3A : i32
    %select_n3A = arith.select %and3A, %sub3A_18, %div3A : i32
    %jit3A_19 = arith.constant 2048 : i32
    %eq3A = arith.constant 0 : i32
    %eq3A_20 = arith.cmpi eq, %jit3A_19, %eq3A : i32
    %jit3A_21 = arith.constant 1 : i32
    %select_n3A_22 = arith.select %eq3A_20, %jit3A_21, %jit3A_19 : i32
    %rem3A_23 = arith.remsi %mul3A_2, %select_n3A_22 : i32
    %ne3A_24 = arith.constant 0 : i32
    %ne3A_25 = arith.cmpi ne, %rem3A_23, %ne3A_24 : i32
    %lt3A = arith.constant 0 : i32
    %lt3A_26 = arith.cmpi slt, %rem3A_23, %lt3A : i32
    %lt3A_27 = arith.constant 0 : i32
    %lt3A_28 = arith.cmpi slt, %select_n3A_22, %lt3A_27 : i32
    %ne3A_29 = arith.xori %lt3A_26, %lt3A_28 : i1
    %and3A_30 = arith.andi %ne3A_29, %ne3A_25 : i1
    %add3A_31 = arith.addi %rem3A_23, %select_n3A_22 : i32
    %select_n3A_32 = arith.select %and3A_30, %add3A_31, %rem3A_23 : i32
    "tpu.region"() ({
      %run_scoped3A = tpu.sem_alloc : memref<!tpu.dma_semaphore, #tpu.memory_space<semaphore_mem>>
      %dma_start3A_45 = tpu.memref_slice %arg2[%select_n3A, %select_n3A_32] : memref<4x2048xi32, #tpu.memory_space<hbm>> -> memref<1x256xi32, #tpu.memory_space<hbm>>
      %dma_start3A_46 = tpu.memref_squeeze %dma_start3A_45 : memref<1x256xi32, #tpu.memory_space<hbm>> -> memref<256xi32, #tpu.memory_space<hbm>>
      %dma_start3A_47 = tpu.memref_slice %arg2[%select_n3A, %select_n3A_32] : memref<4x2048xi32, #tpu.memory_space<hbm>> -> memref<1x256xi32, #tpu.memory_space<hbm>>
      %dma_start3A_48 = tpu.memref_squeeze %dma_start3A_47 : memref<1x256xi32, #tpu.memory_space<hbm>> -> memref<256xi32, #tpu.memory_space<hbm>>
      tpu.enqueue_dma source(%dma_start3A_48 : memref<256xi32, #tpu.memory_space<hbm>>) target(%arg7 : memref<256xi32, #tpu.memory_space<vmem>>) target_semaphore(%run_scoped3A : memref<!tpu.dma_semaphore, #tpu.memory_space<semaphore_mem>>)
      %dma_wait3A_49 = tpu.memref_slice %arg2[%select_n3A, %select_n3A_32] : memref<4x2048xi32, #tpu.memory_space<hbm>> -> memref<1x256xi32, #tpu.memory_space<hbm>>
      %dma_wait3A_50 = tpu.memref_squeeze %dma_wait3A_49 : memref<1x256xi32, #tpu.memory_space<hbm>> -> memref<256xi32, #tpu.memory_space<hbm>>
      %dma_wait3A_51 = tpu.memref_slice %arg2[%select_n3A, %select_n3A_32] : memref<4x2048xi32, #tpu.memory_space<hbm>> -> memref<1x256xi32, #tpu.memory_space<hbm>>
      %dma_wait3A_52 = tpu.memref_squeeze %dma_wait3A_51 : memref<1x256xi32, #tpu.memory_space<hbm>> -> memref<256xi32, #tpu.memory_space<hbm>>
      tpu.wait_dma2 semaphore(%run_scoped3A : memref<!tpu.dma_semaphore, #tpu.memory_space<semaphore_mem>>) src(%dma_wait3A_52 : memref<256xi32, #tpu.memory_space<hbm>>) dst(%arg7 : memref<256xi32, #tpu.memory_space<vmem>>)
      tpu.yield
    }) : () -> ()
    %dma_start3A = arith.constant 0 : i32
    %dma_start3A_33 = arith.constant 0 : i32
    %dma_start3A_34 = tpu.memref_slice %arg4[%dma_start3A, %dma_start3A_33] : memref<100000x128xf32, #tpu.memory_space<hbm>> -> memref<100000x128xf32, #tpu.memory_space<hbm>>
    tpu.enqueue_indirect_dma source(%dma_start3A_34 : memref<100000x128xf32, #tpu.memory_space<hbm>>) target(%arg9 : memref<256x128xf32, #tpu.memory_space<vmem>>) offsets(%arg7 : memref<256xi32, #tpu.memory_space<vmem>>) semaphore(%arg11 : memref<!tpu.dma_semaphore, #tpu.memory_space<semaphore_mem>>)
    "tpu.region"() ({
      %run_scoped3A = tpu.sem_alloc : memref<!tpu.dma_semaphore, #tpu.memory_space<semaphore_mem>>
      %dma_start3A_45 = tpu.memref_slice %arg3[%select_n3A, %select_n3A_32] : memref<4x2048xi32, #tpu.memory_space<hbm>> -> memref<1x256xi32, #tpu.memory_space<hbm>>
      %dma_start3A_46 = tpu.memref_squeeze %dma_start3A_45 : memref<1x256xi32, #tpu.memory_space<hbm>> -> memref<256xi32, #tpu.memory_space<hbm>>
      %dma_start3A_47 = tpu.memref_slice %arg3[%select_n3A, %select_n3A_32] : memref<4x2048xi32, #tpu.memory_space<hbm>> -> memref<1x256xi32, #tpu.memory_space<hbm>>
      %dma_start3A_48 = tpu.memref_squeeze %dma_start3A_47 : memref<1x256xi32, #tpu.memory_space<hbm>> -> memref<256xi32, #tpu.memory_space<hbm>>
      tpu.enqueue_dma source(%dma_start3A_48 : memref<256xi32, #tpu.memory_space<hbm>>) target(%arg8 : memref<256xi32, #tpu.memory_space<vmem>>) target_semaphore(%run_scoped3A : memref<!tpu.dma_semaphore, #tpu.memory_space<semaphore_mem>>)
      %dma_wait3A_49 = tpu.memref_slice %arg3[%select_n3A, %select_n3A_32] : memref<4x2048xi32, #tpu.memory_space<hbm>> -> memref<1x256xi32, #tpu.memory_space<hbm>>
      %dma_wait3A_50 = tpu.memref_squeeze %dma_wait3A_49 : memref<1x256xi32, #tpu.memory_space<hbm>> -> memref<256xi32, #tpu.memory_space<hbm>>
      %dma_wait3A_51 = tpu.memref_slice %arg3[%select_n3A, %select_n3A_32] : memref<4x2048xi32, #tpu.memory_space<hbm>> -> memref<1x256xi32, #tpu.memory_space<hbm>>
      %dma_wait3A_52 = tpu.memref_squeeze %dma_wait3A_51 : memref<1x256xi32, #tpu.memory_space<hbm>> -> memref<256xi32, #tpu.memory_space<hbm>>
      tpu.wait_dma2 semaphore(%run_scoped3A : memref<!tpu.dma_semaphore, #tpu.memory_space<semaphore_mem>>) src(%dma_wait3A_52 : memref<256xi32, #tpu.memory_space<hbm>>) dst(%arg8 : memref<256xi32, #tpu.memory_space<vmem>>)
      tpu.yield
    }) : () -> ()
    %mul3A_35 = arith.constant 128 : i32
    %mul3A_36 = arith.muli %arg1, %mul3A_35 : i32
    "tpu.region"() ({
      %run_scoped3A = tpu.sem_alloc : memref<!tpu.dma_semaphore, #tpu.memory_space<semaphore_mem>>
      %dma_start3A_45 = arith.constant 0 : i32
      %dma_start3A_46 = tpu.memref_slice %arg10[%mul3A_36, %dma_start3A_45] : memref<2048x128xf32, #tpu.memory_space<vmem_shared>> -> memref<128x128xf32, #tpu.memory_space<vmem_shared>>
      %dma_start3A_47 = arith.constant 0 : i32
      %dma_start3A_48 = tpu.memref_slice %arg5[%mul3A_36, %dma_start3A_47] : memref<100000x128xf32, #tpu.memory_space<hbm>> -> memref<128x128xf32, #tpu.memory_space<hbm>>
      tpu.enqueue_dma source(%dma_start3A_48 : memref<128x128xf32, #tpu.memory_space<hbm>>) target(%dma_start3A_46 : memref<128x128xf32, #tpu.memory_space<vmem_shared>>) target_semaphore(%run_scoped3A : memref<!tpu.dma_semaphore, #tpu.memory_space<semaphore_mem>>)
      %dma_wait3A_49 = arith.constant 0 : i32
      %dma_wait3A_50 = tpu.memref_slice %arg10[%mul3A_36, %dma_wait3A_49] : memref<2048x128xf32, #tpu.memory_space<vmem_shared>> -> memref<128x128xf32, #tpu.memory_space<vmem_shared>>
      %dma_wait3A_51 = arith.constant 0 : i32
      %dma_wait3A_52 = tpu.memref_slice %arg5[%mul3A_36, %dma_wait3A_51] : memref<100000x128xf32, #tpu.memory_space<hbm>> -> memref<128x128xf32, #tpu.memory_space<hbm>>
      tpu.wait_dma2 semaphore(%run_scoped3A : memref<!tpu.dma_semaphore, #tpu.memory_space<semaphore_mem>>) src(%dma_wait3A_52 : memref<128x128xf32, #tpu.memory_space<hbm>>) dst(%dma_wait3A_50 : memref<128x128xf32, #tpu.memory_space<vmem_shared>>)
      tpu.yield
    }) : () -> ()
    %barrier3A = arith.constant 0 : index
    tpu.barrier barrier_id(%barrier3A)
    %dma_wait3A = arith.constant 0 : i32
    %dma_wait3A_37 = arith.constant 0 : i32
    %dma_wait3A_38 = tpu.memref_slice %arg4[%dma_wait3A, %dma_wait3A_37] : memref<100000x128xf32, #tpu.memory_space<hbm>> -> memref<100000x128xf32, #tpu.memory_space<hbm>>
    tpu.wait_indirect_dma semaphore(%arg11 : memref<!tpu.dma_semaphore, #tpu.memory_space<semaphore_mem>>) src(%dma_wait3A_38 : memref<100000x128xf32, #tpu.memory_space<hbm>>) dst(%arg9 : memref<256x128xf32, #tpu.memory_space<vmem>>)
    %dma_start3A_39 = arith.constant 0 : i32
    %dma_start3A_40 = arith.constant 0 : i32
    %dma_start3A_41 = tpu.memref_slice %arg10[%dma_start3A_39, %dma_start3A_40] : memref<2048x128xf32, #tpu.memory_space<vmem_shared>> -> memref<2048x128xf32, #tpu.memory_space<vmem_shared>>
    tpu.enqueue_indirect_dma source(%dma_start3A_41 : memref<2048x128xf32, #tpu.memory_space<vmem_shared>>) target(%arg9 : memref<256x128xf32, #tpu.memory_space<vmem>>) offsets(%arg8 : memref<256xi32, #tpu.memory_space<vmem>>) semaphore(%arg12 : memref<!tpu.dma_semaphore, #tpu.memory_space<semaphore_mem>>) {add = true}
    %dma_wait3A_42 = arith.constant 0 : i32
    %dma_wait3A_43 = arith.constant 0 : i32
    %dma_wait3A_44 = tpu.memref_slice %arg10[%dma_wait3A_42, %dma_wait3A_43] : memref<2048x128xf32, #tpu.memory_space<vmem_shared>> -> memref<2048x128xf32, #tpu.memory_space<vmem_shared>>
    tpu.wait_indirect_dma semaphore(%arg12 : memref<!tpu.dma_semaphore, #tpu.memory_space<semaphore_mem>>) src(%dma_wait3A_44 : memref<2048x128xf32, #tpu.memory_space<vmem_shared>>) dst(%arg9 : memref<256x128xf32, #tpu.memory_space<vmem>>)
    "tpu.region"() ({
      %run_scoped3A = tpu.sem_alloc : memref<!tpu.dma_semaphore, #tpu.memory_space<semaphore_mem>>
      %dma_start3A_45 = arith.constant 0 : i32
      %dma_start3A_46 = tpu.memref_slice %arg6[%mul3A_2, %dma_start3A_45] : memref<8192x128xf32, #tpu.memory_space<hbm>> -> memref<256x128xf32, #tpu.memory_space<hbm>>
      %dma_start3A_47 = arith.constant 0 : i32
      %dma_start3A_48 = tpu.memref_slice %arg6[%mul3A_2, %dma_start3A_47] : memref<8192x128xf32, #tpu.memory_space<hbm>> -> memref<256x128xf32, #tpu.memory_space<hbm>>
      tpu.enqueue_dma source(%arg9 : memref<256x128xf32, #tpu.memory_space<vmem>>) target(%dma_start3A_48 : memref<256x128xf32, #tpu.memory_space<hbm>>) target_semaphore(%run_scoped3A : memref<!tpu.dma_semaphore, #tpu.memory_space<semaphore_mem>>)
      %dma_wait3A_49 = arith.constant 0 : i32
      %dma_wait3A_50 = tpu.memref_slice %arg6[%mul3A_2, %dma_wait3A_49] : memref<8192x128xf32, #tpu.memory_space<hbm>> -> memref<256x128xf32, #tpu.memory_space<hbm>>
      %dma_wait3A_51 = arith.constant 0 : i32
      %dma_wait3A_52 = tpu.memref_slice %arg6[%mul3A_2, %dma_wait3A_51] : memref<8192x128xf32, #tpu.memory_space<hbm>> -> memref<256x128xf32, #tpu.memory_space<hbm>>
      tpu.wait_dma2 semaphore(%run_scoped3A : memref<!tpu.dma_semaphore, #tpu.memory_space<semaphore_mem>>) src(%arg9 : memref<256x128xf32, #tpu.memory_space<vmem>>) dst(%dma_wait3A_52 : memref<256x128xf32, #tpu.memory_space<hbm>>)
      tpu.yield
    }) : () -> ()
    return
  }
}

</mosaic_0001>

<sc_bundles>
// kernel: _emb_call.3.cloned.1.call-start
scs
__scs_entry_jumppad:
0x0: {  	(pc) =	sbr.rel $0x88, $3  }
0x1: {  	(tag) =	ssettag $0x0;
	lr =	simm.s32 $0x1  }
0x2: {  	[smem:$0x3F9D] =	sst lr;
	_ =	strace $0xD0000000  }
0x3: {  	_ = 	snop  }
0x4: {  	_ = 	snop  }
0x5: {  	_ = 	snop  }
0x6: {  	_ = 	snop  }
0x7: {  	_ = 	snop  }
__scs_overlays_trampoline_lowered:
0x8: {  	[smem:$0x3FAC] =	sst s0  }
0x9: {  	[smem:$0x3FAD] =	sst s1  }
0xa: {  	[smem:$0x3FAE] =	sst s2  }
0xb: {  	[smem:$0x3FAF] =	sst s3  }
0xc: {  	[smem:$0x3FB0] =	sst s4  }
0xd: {  	[smem:$0x3FB1] =	sst s5  }
0xe: {  	[smem:$0x3FB2] =	sst s6  }
0xf: {  	[smem:$0x3FB3] =	sst s7  }
0x10: {  	[smem:$0x3FB4] =	sst s8  }
0x11: {  	[smem:$0x3FB5] =	sst s9;
	s0 =	simm.s32 @!p0 $0x0  }
0x12: {  	s1 =	sld [smem:$0x3F9B];
	s0 =	simm.s32 @p0 $0x1  }
0x13: {  	[smem:$0x3FB6] =	sst s0;
	s0 =	simm.s32 @!p1 $0x0  }
0x14: {  	s2 =	sld [smem:$0x3F9A];
	s0 =	simm.s32 @p1 $0x1  }
0x15: {  	[smem:$0x3FB7] =	sst s0;
	s0 =	simm.s32 @!p2 $0x0  }
0x16: {  	s3 =	sld [smem:$0x3FDB];
	s0 =	simm.s32 @p2 $0x1  }
0x17: {  	s4 =	simm.s32 $0x1BF5;
	[smem:$0x3FB9] =	sst s0  }
0x18: {  	s0 =	sld [smem:$0x3F9C];
	_ =	swait.ge [sflag:s4], $0x0  }
0x19: {  	s7 =	sld [smem:$0x3F9D]  }
0x1a: {  	s8 =	sadd.s32 $0xFFFFE003, lr  }
0x1b: {  	s9 =	sadd.s32 $0xFFFFFEF7, lr;
	s5 =	simm.s32 $0xFFFFFFFF;
	p2 =	slt.u32 s8, $0xFFFFF086  }
0x1c: {  	p1 =	slt.u32 s9, $0xF7A;
	s5 =	simm.s32 @!p2 $0x0  }
0x1d: {  	s5 =	simm.s32 @p1 $0x1;
	p0 =	seq.s32 s7, s2  }
0x1e: {  	s7 =	smul.u32 @!p0 $0xF7A, s2;
	p2 =	seq.s32 @!p0 s5, $0x0  }
0x1f: {  	s9 =	smul.u32 $0xF7A, s1;
	s8 =	simm.s32 @!p0 $0x1BF5;
	p2 =	por !p2, p0  }
0x20: {  	[sflag:s8] =	ssyncset.s32 @!p0 $0xFFFFF086;
	s6 =	sadd.s32 @!p0 s3, s7;
	s7 =	simm.s32 @!p0 $0x108  }
0x21: {  	s3 =	sadd.s32 s3, s9;
	s6 =	sadd.s32 @!p0 $0x88, s6;
	s7 =	simm.s32 @p2 $0x1082  }
0x22: {  	[simem:s7], [sflag:s8] =	dma.local @!p0 [hbm:s6], $0xF7A  }
0x23: {  	s9 =	sor.u32 $0xD0000000, s2;
	s6 =	simm.s32 $0x108;
	_ =	swait.ge @!p0 [sflag:s8], $0x0  }
0x24: {  	s3 =	sadd.s32 $0x88, s3;
	s6 =	simm.s32 @!p1 $0x1082;
	[sflag:s4] =	ssyncset.s32 $0xFFFFF086  }
0x25: {  	[simem:s6], [sflag:s4] =	dma.local [hbm:s3], $0xF7A  }
0x26: {  	[smem:$0x3F9D] =	sst s1;
	(tag) =	ssettag s2;
	_ =	strace s9  }
0x27: {  	s1 =	sld [smem:$0x3FAD]  }
0x28: {  	s2 =	sld [smem:$0x3FAE]  }
0x29: {  	s4 =	sld [smem:$0x3FB0]  }
0x2a: {  	p0 =	seq.s32 s5, $0x0;
	s5 =	sld [smem:$0x3FB1]  }
0x2b: {  	s6 =	sld [smem:$0x3FB2]  }
0x2c: {  	s7 =	sld [smem:$0x3FB3]  }
0x2d: {  	s3 =	simm.s32 $0x108;
	s8 =	sld [smem:$0x3FB4]  }
0x2e: {  	s3 =	simm.s32 @!p0 $0x1082;
	s9 =	sld [smem:$0x3FB5]  }
0x2f: {  	lr =	sadd.s32 s0, s3;
	s0 =	sld [smem:$0x3FAC]  }
0x30: {  	s3 =	sld [smem:$0x3FAF]  }
0x31: {  	[smem:$0x3FB8] =	sst s10  }
0x32: {  	s10 =	sld [smem:$0x3FB6];
	_ =	sdelay $0x3  }
0x33: {  	p0 =	seq.s32 s10, $0x1;
	s10 =	sld [smem:$0x3FB8];
	_ =	sdelay $0x3  }
0x34: {  	[smem:$0x3FB8] =	sst s10  }
0x35: {  	s10 =	sld [smem:$0x3FB7];
	_ =	sdelay $0x3  }
0x36: {  	p1 =	seq.s32 s10, $0x1;
	s10 =	sld [smem:$0x3FB8];
	_ =	sdelay $0x3  }
0x37: {  	[smem:$0x3FB8] =	sst s10  }
0x38: {  	s10 =	sld [smem:$0x3FB9]  }
0x39: {  	_ = 	snop;
	(pc) =	sbr.ind lr, $3  }
0x3a: {  	_ = 	snop  }
0x3b: {  	_ = 	snop  }
0x3c: {  	p2 =	seq.s32 s10, $0x1;
	s10 =	sld [smem:$0x3FB8]  }
0x3d: {  	_ =	shalt  }
0x3e: {  	_ =	shalt  }
0x3f: {  	_ =	shalt  }
0x40: {  	_ =	shalt  }
0x41: {  	_ =	shalt  }
0x42: {  	_ =	shalt  }
0x43: {  	_ =	shalt  }
0x44: {  	_ =	shalt  }
0x45: {  	_ =	shalt  }
0x46: {  	_ =	shalt  }
0x47: {  	_ =	shalt  }
0x48: {  	_ =	shalt  }
0x49: {  	_ =	shalt  }
0x4a: {  	_ =	shalt  }
0x4b: {  	_ =	shalt  }
0x4c: {  	_ =	shalt  }
0x4d: {  	_ =	shalt  }
0x4e: {  	_ =	shalt  }
0x4f: {  	_ =	shalt  }
0x50: {  	_ =	shalt  }
0x51: {  	_ =	shalt  }
0x52: {  	_ =	shalt  }
0x53: {  	_ =	shalt  }
0x54: {  	_ =	shalt  }
0x55: {  	_ =	shalt  }
0x56: {  	_ =	shalt  }
0x57: {  	_ =	shalt  }
0x58: {  	_ =	shalt  }
0x59: {  	_ =	shalt  }
0x5a: {  	_ =	shalt  }
0x5b: {  	_ =	shalt  }
0x5c: {  	_ =	shalt  }
0x5d: {  	_ =	shalt  }
0x5e: {  	_ =	shalt  }
0x5f: {  	_ =	shalt  }
0x60: {  	_ =	shalt  }
0x61: {  	_ =	shalt  }
0x62: {  	_ =	shalt  }
0x63: {  	_ =	shalt  }
0x64: {  	_ =	shalt  }
0x65: {  	_ =	shalt  }
0x66: {  	_ =	shalt  }
0x67: {  	_ =	shalt  }
0x68: {  	_ =	shalt  }
0x69: {  	_ =	shalt  }
0x6a: {  	_ =	shalt  }
0x6b: {  	_ =	shalt  }
0x6c: {  	_ =	shalt  }
0x6d: {  	_ =	shalt  }
0x6e: {  	_ =	shalt  }
0x6f: {  	_ =	shalt  }
0x70: {  	_ =	shalt  }
0x71: {  	_ =	shalt  }
0x72: {  	_ =	shalt  }
0x73: {  	_ =	shalt  }
0x74: {  	_ =	shalt  }
0x75: {  	_ =	shalt  }
0x76: {  	_ =	shalt  }
0x77: {  	_ =	shalt  }
0x78: {  	_ =	shalt  }
0x79: {  	_ =	shalt  }
0x7a: {  	_ =	shalt  }
0x7b: {  	_ =	shalt  }
0x7c: {  	_ =	shalt  }
0x7d: {  	_ =	shalt  }
0x7e: {  	_ =	shalt  }
0x7f: {  	_ =	shalt  }
0x80: {  	_ =	shalt  }
0x81: {  	_ =	shalt  }
0x82: {  	_ =	shalt  }
0x83: {  	_ =	shalt  }
0x84: {  	_ =	shalt  }
0x85: {  	_ =	shalt  }
0x86: {  	_ =	shalt  }
0x87: {  	_ =	shalt  }
.Lfunc_end0:
.L_simem_size_0:
called_computation_lowered:
.L_overlay_start_0:
0x88: {  	s2 =	sld [smem:$0x3FD9]  }
0x89: {  	s3 =	sld [smem:$0x3FFE];
	_ =	sdelay $0x1  }
0x8a: {  	s1 =	srdreg.scid  }
0x8b: {  	s0 =	sand.u32 $0x1, s1  }
0x8c: {  	s18 =	sshll.u32 s0, $0xA;
	s2 =	sadd.s32 s3, s2  }
0x8d: {  	s2 =	sadd.s32 s2, s18  }
0x8e: {  	[smem:$0x3FC4] =	sst s2  }
0x8f: {  	_ = 	snop  }
0x90: {  	s2 =	sld [smem:$0x3FC9]  }
0x91: {  	s19 =	sld [smem:$0x3FC8]  }
0x92: {  	s4 =	sld [smem:$0x3FC7]  }
0x93: {  	s5 =	sld [smem:$0x3FC6]  }
0x94: {  	s6 =	sld [smem:$0x3FD0];
	(tm) =	ssettm $0x1  }
0x95: {  	s7 =	sld [smem:$0x3FFB];
	_ =	sdelay $0x3  }
0x96: {  	_ =	strace s7  }
0x97: {  	s7 =	sld [smem:$0x3FFC];
	_ =	sdelay $0x3  }
0x98: {  	_ =	strace s7  }
0x99: {  	s7 =	sld [smem:$0x3FFD];
	_ =	sdelay $0x3  }
0x9a: {  	_ =	strace s7  }
0x9b: {  	_ =	strace $0x8FFFFFFF  }
0x9c: {  	s20 =	sld [smem:$0x3FDB];
	_ =	sdelay $0x1  }
0x9d: {  	s8 =	simm.s32 $_scs_section_size  }
0x9e: {  	s9 =	simm.s32 $_size__tile_overlayer_lowered;
	s10 =	simm.s32 $_tile_overlayer_lowered  }
0x9f: {  	s23 =	simm.s32 $0x1BFF;
	s22 =	sshll.u32 s10, $0x1;
	s7 =	sadd.s32 s8, s20  }
0xa0: {  	s11 =	simm.s32 $0x0;
	s21 =	sshll.u32 s9, $0x1;
	s9 =	sadd.s32 s22, s7  }
0xa1: {  	[timem:s11], [sflag:s23] =	dma.local [hbm:s9], s21  }
0xa2: {  	_ =	swait.ge [sflag:s23], s21  }
0xa3: {  	s8 =	ssub.s32 $0x0, s21;
	[sflag:s23] =	ssyncset.done $0x0  }
0xa4: {  	[sflag:s23] =	ssyncadd.s32 s8;
	_ =	sdelay $0x1  }
0xa5: {  	s24 =	simm.s32 $0x1B8B  }
0xa6: {  	_ =	swait.ge [sflag:s24], $0x1  }
0xa7: {  	[sflag:s24] =	ssyncset.done $0x0  }
0xa8: {  	s25 =	simm.s32 $0x1B8E;
	[sflag:s24] =	ssyncadd.s32 $0xFFFFFFFF  }
0xa9: {  	s26 =	simm.s32 $execute0_lowered;
	[smem:$0x3FD2] =	sst s25  }
0xaa: {  	s8 =	sshll.u32 s26, $0x1;
	_ =	strace $0x80000046;
	[dreg:$0x1] =	wrdreg $0xFFFFFFFF  }
0xab: {  	s28 =	simm.s32 $_size_execute0_lowered;
	s7 =	sadd.s32 s7, s8;
	[dreg:$0x0] =	wrdreg $0x0  }
0xac: {  	s8 =	sshll.u32 s28, $0x1;
	[dreg:$0x2] =	wrdreg s7  }
0xad: {  	[dreg:$0x3] =	wrdreg s8  }
0xae: {  	[dreg:$0x4] =	wrdreg $0xC0  }
0xaf: {  	_ =	task [dreg:s11], $0x5FFFF  }
0xb0: {  	[dreg:$0x1] =	wrdreg $0xFFFFFFFF  }
0xb1: {  	[dreg:$0x0] =	wrdreg $0x60  }
0xb2: {  	[dreg:$0x2] =	wrdreg s2  }
0xb3: {  	[dreg:$0x3] =	wrdreg s19  }
0xb4: {  	[dreg:$0x4] =	wrdreg s4  }
0xb5: {  	[dreg:$0x5] =	wrdreg s5  }
0xb6: {  	[dreg:$0x6] =	wrdreg s6  }
0xb7: {  	[dreg:$0x7] =	wrdreg $0x82000  }
0xb8: {  	[dreg:$0x8] =	wrdreg $0x9  }
0xb9: {  	_ =	task.clear_ibuf [dreg:s11], $0x9FFFF;
	_ =	strace $0x90000046  }
0xba: {  	s29 =	simm.s32 $0x9;
	_ =	strace $0x80000048  }
0xbb: {  	_ =	swait.ge [sflag:s29], $0x1  }
0xbc: {  	[sflag:s29] =	ssyncadd.s32 $0xFFFFFFFF  }
0xbd: {  	_ =	strace $0x90000048  }
0xbe: {  	_ =	sfence  }
0xbf: {  	s30 =	sld [smem:$0x0];
	_ =	sdelay $0x2  }
0xc0: {  	s31 =	sshll.u32 s1, $0xD;
	s1 =	sshrl.u32 s1, $0x2  }
0xc1: {  	s3 =	sand.u32 $0x4000, s31;
	s1 =	sadd.s32 s1, s30  }
0xc2: {  	s0 =	sor.u32 s3, s0;
	s1 =	sshll.u32 s1, $0x11  }
0xc3: {  	s0 =	sor.u32 s1, s0  }
0xc4: {  	s0 =	sadd.s32 $0x8F2B, s0  }
0xc5: {  	[sflag:s0] =	ssyncadd.remote.s32 $0x1  }
0xc6: {  	_ =	sfence.sel $0xFFFF  }
0xc7: {  	[dreg:$0x0] =	wrdreg $0xFFFFFFFF;
	(pc) =	sbr.abs _section_cstart, $3  }
0xc8: {  	[dreg:$0x1] =	wrdreg $0xFFFFFFFF  }
0xc9: {  	_ =	task.clear_ibuf [dreg:s11], $0x2FFFF;
	_ =	strace $0x9FFFFFFF  }
0xca: {  	(tm) =	ssettm $0x7FFFFFFF  }
0xcb: {  	_ =	shalt  }
tec
execute0_lowered:
.L_overlay_start_1:
0x0: {  	(tag) =	ssettag $0x1  }
0x1: {  	s5 =	rddreg [dreg:$0x0];
	s1 =	srdreg.scid  }
0x2: {  	s10 =	rddreg [dreg:$0x1];
	s0 =	stileid.u32;
	s15 =	sand.u32 $0x1, s1  }
0x3: {  	s11 =	rddreg [dreg:$0x3];
	s2 =	sshll.u32 s0, $0x9;
	s3 =	sshll.u32 s15, $0x8  }
0x4: {  	s17 =	rddreg [dreg:$0x4];
	s16 =	sor.u32 s3, s2  }
0x5: {  	s1 =	rddreg [dreg:$0x2];
	s4 =	sshll.u32 s0, $0x5;
	s2 =	sshll.u32 s16, $0x2  }
0x6: {  	s8 =	simm.s32 $0x200;
	s3 =	rddreg [dreg:$0x5];
	s6 =	sor.u32 s4, s2  }
0x7: {  	s2 =	rddreg [dreg:$0x6];
	s4 =	simm.s32 $0x0;
	s6 =	sand.u32 $0x1D80, s6  }
0x8: {  	s7 =	simm.s32 $0x3;
	[smem:$0x7FF] =	sst s4;
	s12 =	sshrl.u32 s6, $0x3  }
0x9: {  	_ =	strace $0x80000047;
	s6 =	simm.s32 $0x80;
	s5 =	sadd.s32 s5, s12  }
0xa: {  	[tilespmem:s4], [sflag:$0x3] =	stream.strided.gather [hbm4b:s5+s6], $0x100, s8, s6, $0x38;
	[tilespmem:$0xC200] =	vst v63  }
0xb: {  	_ =	swait.ge [sflag:s7], $0x100  }
0xc: {  	[sflag:s7] =	ssyncset.done $0x0  }
0xd: {  	s9 =	simm.s32 $0x100;
	[sflag:s7] =	ssyncadd.s32 $0xFFFFFF00  }
0xe: {  	[tilespmem:s8], [sflag:$0x1] =	stream.indirect.gather [hbm4b:s1+s9], $0x80, s4, s9, $0xb8;
	[tilespmem:$0xC200] =	vst v63  }
0xf: {  	s28 =	sshll.u32 s0, $0xE;
	s10 =	sadd.s32 s10, s12  }
0x10: {  	[tilespmem:s9], [sflag:$0x3] =	stream.strided.gather [hbm4b:s10+s6], $0x100, s8, s6, $0x38;
	[tilespmem:$0xC200] =	vst v63  }
0x11: {  	s29 =	sshll.u32 s0, $0xB;
	s30 =	sshll.u32 s0, $0x6;
	_ =	swait.ge [sflag:s7], $0x100  }
0x12: {  	s11 =	sadd.s32 s11, s29;
	s13 =	sadd.s32 s28, s3;
	[sflag:s7] =	ssyncset.done $0x0  }
0x13: {  	s13 =	sshrl.u32 s13, $0x3;
	s12 =	sor.u32 $0x1C03, s30;
	[sflag:s7] =	ssyncadd.s32 $0xFFFFFF00  }
0x14: {  	[spmem:s13], [sflag:s12] =	dma.local [hbm:s11], $0x800  }
0x15: {  	_ =	swait.ge [sflag:s7], $0x800  }
0x16: {  	[sflag:s7] =	ssyncset.done $0x0  }
0x17: {  	[sflag:s7] =	ssyncadd.s32 $0xFFFFF800  }
0x18: {  	s14 =	simm.s32 $0x1;
	s18 =	ssub.s32 $0x2, s15;
	[bflag:$0x0] =	sbarrier.arrive $0xFFFF  }
0x19: {  	s19 =	sshrl.u32 s18, $0x1;
	_ =	swait.ge [sflag:s14], $0x8000  }
0x1a: {  	s18 =	ssub.s32 s18, s19;
	[sflag:s14] =	ssyncset.done $0x0  }
0x1b: {  	s15 =	simm.s32 $0x2;
	s31 =	smax.u32 s18, $0x1;
	[sflag:s14] =	ssyncadd.s32 $0xFFFF8000  }
0x1c: {  	[tilespmem:s8], [sflag:$0x2] =	stream.indirect.gather.add.f32 [spmem:s3], $0x80, s9, s9, $0xb8;
	[tilespmem:$0xC200] =	vst v63  }
0x1d: {  	p0 =	sne.s32 s31, $0x1;
	_ =	swait.ge [sflag:s15], $0x8000  }
.Ltmp0:
0x1e: {  	s16 =	sshll.u32 s16, $0x4;
	[sflag:s15] =	ssyncset.done $0x0;
	(pc) =	sbr.rel @!p0 .LBB2_2-.Ltmp0, $4  }
0x1f: {  	s16 =	sadd.s32 s17, s16;
	[sflag:s15] =	ssyncadd.s32 $0xFFFF8000  }
0x20: {  	[hbm4b:s16+s4] =	stream.linear.scatter [tilespmem:s8], [sflag:$0x3], $0x8000, $0x38;
	[tilespmem:$0xC200] =	vst v63  }
0x21: {  	_ =	swait.ge [sflag:s7], $0x8000  }
0x22: {  	s17 =	sadd.s32 $0xFFFFFFFF, s31;
	[sflag:s7] =	ssyncset.done $0x0  }
.LBB2_1:
0x23: {  	p0 =	sne.s32 s17, $0x1;
	s17 =	sadd.s32 $0xFFFFFFFF, s17;
	[sflag:s7] =	ssyncadd.s32 $0xFFFF8000  }
0x24: {  	[tilespmem:s4], [sflag:$0x3] =	stream.strided.gather [hbm4b:s5+s6], $0x100, s8, s6, $0x38;
	[tilespmem:$0xC200] =	vst v63  }
0x25: {  	_ =	swait.ge [sflag:s7], $0x100  }
0x26: {  	[sflag:s7] =	ssyncset.done $0x0  }
0x27: {  	[sflag:s7] =	ssyncadd.s32 $0xFFFFFF00  }
0x28: {  	[tilespmem:s8], [sflag:$0x1] =	stream.indirect.gather [hbm4b:s1+s9], $0x80, s4, s9, $0xb8;
	[tilespmem:$0xC200] =	vst v63  }
0x29: {  	_ = 	snop  }
0x2a: {  	[tilespmem:s9], [sflag:$0x3] =	stream.strided.gather [hbm4b:s10+s6], $0x100, s8, s6, $0x38;
	[tilespmem:$0xC200] =	vst v63  }
0x2b: {  	_ =	swait.ge [sflag:s7], $0x100  }
0x2c: {  	[sflag:s7] =	ssyncset.done $0x0  }
0x2d: {  	[sflag:s7] =	ssyncadd.s32 $0xFFFFFF00  }
0x2e: {  	[spmem:s13], [sflag:s12] =	dma.local [hbm:s11], $0x800  }
0x2f: {  	_ =	swait.ge [sflag:s7], $0x800  }
0x30: {  	[sflag:s7] =	ssyncset.done $0x0  }
0x31: {  	[sflag:s7] =	ssyncadd.s32 $0xFFFFF800  }
0x32: {  	[bflag:$0x0] =	sbarrier.arrive $0xFFFF  }
0x33: {  	_ =	swait.ge [sflag:s14], $0x8000  }
0x34: {  	[sflag:s14] =	ssyncset.done $0x0  }
0x35: {  	[sflag:s14] =	ssyncadd.s32 $0xFFFF8000  }
0x36: {  	[tilespmem:s8], [sflag:$0x2] =	stream.indirect.gather.add.f32 [spmem:s3], $0x80, s9, s9, $0xb8;
	[tilespmem:$0xC200] =	vst v63  }
0x37: {  	_ =	swait.ge [sflag:s15], $0x8000  }
.Ltmp1:
0x38: {  	[sflag:s15] =	ssyncset.done $0x0;
	(pc) =	sbr.rel @p0 .LBB2_1-.Ltmp1, $4  }
0x39: {  	[sflag:s15] =	ssyncadd.s32 $0xFFFF8000  }
0x3a: {  	[hbm4b:s16+s4] =	stream.linear.scatter [tilespmem:s8], [sflag:$0x3], $0x8000, $0x38;
	[tilespmem:$0xC200] =	vst v63  }
0x3b: {  	_ =	swait.ge [sflag:s7], $0x8000  }
0x3c: {  	[sflag:s7] =	ssyncset.done $0x0  }
.LBB2_2:
0x3d: {  	[sflag:s7] =	ssyncadd.s32 $0xFFFF8000  }
0x3e: {  	_ =	sfence.sel $0x180000  }
0x3f: {  	[bflag:$0x0] =	sbarrier.arrive $0xFFFF  }
0x40: {  	p0 =	sne.s32 s0, $0x0;
	_ =	strace $0x90000047  }
0x41: {  	s0 =	sadd.s32 @!p0 $0x100000, s2;
	[bflag:$0x2] =	sbarrier.arrive $0xFFFF  }
0x42: {  	[sflag:s0] =	ssyncadd.tile.s32 @!p0 $0x1;
	_ =	shalt  }
.Lfunc_end2:
_tile_overlayer_lowered:
.L_overlay_start_2:
0x43: {  	(tag) =	ssettag $0x2  }
0x44: {  	s0 =	rddreg [dreg:$0x0];
	s2 =	stileid.u32  }
0x45: {  	s1 =	rddreg [dreg:$0x1];
	p0 =	sne.s32 s2, $0x0  }
0x46: {  	s3 =	rddreg [dreg:$0x2];
	[bflag:$0x3] =	sbarrier.arrive $0xFFFF;
	s2 =	simm.s32 @!p0 $0x1C03  }
0x47: {  	[timem:s3], [sflag:s2] =	dma.local @!p0 [hbm:s0], s1  }
0x48: {  	s0 =	simm.s32 @!p0 $0x3  }
0x49: {  	_ =	swait.ge @!p0 [sflag:s0], s1  }
0x4a: {  	s1 =	ssub.s32 @!p0 $0x0, s1;
	[sflag:s0] =	ssyncset.done @!p0 $0x0  }
0x4b: {  	[sflag:s0] =	ssyncadd.s32 @!p0 s1  }
0x4c: {  	[bflag:$0x3] =	sbarrier.arrive $0xFFFF  }
0x4d: {  	_ =	shalt  }

</sc_bundles>
